<compile_context>
chip_gen: v7x
topology: tpu7x:2x2x1
jax: 0.10.2.dev20260603
libtpu: 0.0.44.dev20260713+nightly
codegen_flags: <defaults>
</compile_context>

<pallas_src>
import functools

import jax
import jax.numpy as jnp
from jax import lax
from jax.experimental import pallas as pl
from jax.experimental.pallas import tpu as pltpu, tpu_sc as plsc

TOTAL = 320

_mesh = plsc.ScalarSubcoreMesh(axis_name="c", num_cores=1)


@functools.partial(
    pl.kernel,
    mesh=_mesh,
    out_type=[
        jax.ShapeDtypeStruct((1, TOTAL), jnp.float32),
    ],
    scratch_types=[
        pltpu.SMEM((8,), jnp.float32),
    ],
)
def _scs_probe(w_pn_hbm, out_hbm, out_s):
    is_w0 = lax.axis_index("c") == 0

    @pl.when(is_w0)
    def _():
        out_s[0] = 1.0


def kernel(stem_index, W_stem, W_pn, W_dep_bias, dep):
    out = _scs_probe(W_pn)
    return (out, out, out, out)

# --- scband reference (transcript-rebuilt; emitter-appended) ---
"""Pipeline reference for scband-learn-activations-weights-65128884077214 (READ-ONLY COPY).

The authoritative reference and input builder live on the scoring server;
editing this copy changes nothing except your own understanding.
"""

import jax, jax.numpy as jnp
import numpy as np

NUM_EXPS = 64
NUM_PNS = 5
VOCAB = 64  # len(class_dict)


def setup_inputs(seed: int = 0) -> dict:
    key = jax.random.key(seed)
    k1, k2, k3, k4, k5 = jax.random.split(key, 5)
    stem_index = jax.random.randint(k1, (), 0, VOCAB, dtype=jnp.int32)
    # learned parameters (torch nn.Embedding init ~ N(0,1))
    W_stem = jax.random.normal(k2, (VOCAB, NUM_EXPS), dtype=jnp.float32)
    W_pn = jax.random.normal(k3, (NUM_PNS, NUM_EXPS), dtype=jnp.float32)
    W_dep_bias = jax.random.normal(k4, (1, NUM_EXPS), dtype=jnp.float32)
    dep = jax.random.uniform(k5, (1,), dtype=jnp.float32)
    return {"stem_index": stem_index, "W_stem": W_stem, "W_pn": W_pn,
            "W_dep_bias": W_dep_bias, "dep": dep}


def reference(stem_index, W_stem, W_pn, W_dep_bias, dep):
    sig = jax.nn.sigmoid
    # embedding lookup for the stem index -> [NUM_EXPS]
    embs_stem = sig(jnp.take(W_stem, stem_index, axis=0))
    # repeat(num_pns) then unsqueeze(0) -> [1, NUM_PNS*NUM_EXPS]
    embs_stem = jnp.tile(embs_stem, NUM_PNS)[None, :]
    # lookups for pn indices 0..4, sigmoid, concat -> [1, NUM_PNS*NUM_EXPS]
    embs_pn = sig(jnp.take(W_pn, jnp.arange(NUM_PNS), axis=0)).reshape(-1)[None, :]
    coalesced = embs_stem + embs_pn
    # bias computed in the original forward but unused in outputs
    bias = jnp.tile(jnp.take(W_dep_bias, 0, axis=0), NUM_PNS)
    max_reward = coalesced
    dep_penalty = jnp.ones(coalesced.shape, dtype=coalesced.dtype) - coalesced
    return (max_reward - dep_penalty, max_reward, dep_penalty, coalesced)

if __name__ == "__main__":
    import jax
    _d = setup_inputs()
    print(jax.jit(kernel)(*tuple(_d.values())))

</pallas_src>

<mosaic_0001>
#map = affine_map<(d0) -> (0, 0)>
module attributes {stable_mosaic.version = 14 : i64} {
  func.func @_scs_probe(%arg0: i32, %arg1: memref<5x64xf32, #tpu.memory_space<hbm>>, %arg2: memref<1x320xf32, #tpu.memory_space<hbm>>, %arg3: memref<8xf32, #tpu.memory_space<smem>>) attributes {dimension_semantics = [#tpu.dimension_semantics<core_parallel>], iteration_bounds = array<i64: 1>, scalar_prefetch = 0 : i64, scratch_operands = 1 : i64, tpu.core_type = #tpu.core_type<sc_scalar_subcore>, window_params = [{transform_indices = #map}, {transform_indices = #map}]} {
    %eq3A = arith.constant 0 : i32
    %eq3A_0 = arith.cmpi eq, %arg0, %eq3A : i32
    %convert_element_type3A = arith.extui %eq3A_0 : i1 to i32
    %cond3A = arith.constant 0 : i32
    %cond3A_1 = arith.cmpi ne, %convert_element_type3A, %cond3A : i32
    scf.if %cond3A_1 {
      %swap3A = arith.constant 1.000000e+00 : f32
      %swap3A_2 = arith.constant 0 : i32
      %swap3A_3 = arith.index_cast %swap3A_2 : i32 to index
      %swap3A_4 = memref.load %arg3[%swap3A_3] : memref<8xf32, #tpu.memory_space<smem>>
      memref.store %swap3A, %arg3[%swap3A_3] : memref<8xf32, #tpu.memory_space<smem>>
    } else {
    }
    return
  }
}

</mosaic_0001>

<sc_bundles>
// kernel: kernel.3.cloned.1.call-start
scs
__scs_entry_jumppad:
0x0: {  	(pc) =	sbr.rel $0x88, $3  }
0x1: {  	(tag) =	ssettag $0x0;
	lr =	simm.s32 $0x1  }
0x2: {  	[smem:$0x3FA0] =	sst lr;
	_ =	strace $0xD0000000  }
0x3: {  	_ = 	snop  }
0x4: {  	_ = 	snop  }
0x5: {  	_ = 	snop  }
0x6: {  	_ = 	snop  }
0x7: {  	_ = 	snop  }
__scs_overlays_trampoline_lowered:
0x8: {  	[smem:$0x3FAF] =	sst s0  }
0x9: {  	[smem:$0x3FB0] =	sst s1  }
0xa: {  	[smem:$0x3FB1] =	sst s2  }
0xb: {  	[smem:$0x3FB2] =	sst s3  }
0xc: {  	[smem:$0x3FB3] =	sst s4  }
0xd: {  	[smem:$0x3FB4] =	sst s5  }
0xe: {  	[smem:$0x3FB5] =	sst s6  }
0xf: {  	[smem:$0x3FB6] =	sst s7  }
0x10: {  	[smem:$0x3FB7] =	sst s8  }
0x11: {  	[smem:$0x3FB8] =	sst s9;
	s0 =	simm.s32 @!p0 $0x0  }
0x12: {  	s1 =	sld [smem:$0x3F9E];
	s0 =	simm.s32 @p0 $0x1  }
0x13: {  	[smem:$0x3FB9] =	sst s0;
	s0 =	simm.s32 @!p1 $0x0  }
0x14: {  	s2 =	sld [smem:$0x3F9D];
	s0 =	simm.s32 @p1 $0x1  }
0x15: {  	[smem:$0x3FBA] =	sst s0;
	s0 =	simm.s32 @!p2 $0x0  }
0x16: {  	s3 =	sld [smem:$0x3FDB];
	s0 =	simm.s32 @p2 $0x1  }
0x17: {  	s4 =	simm.s32 $0x1BF5;
	[smem:$0x3FBC] =	sst s0  }
0x18: {  	s0 =	sld [smem:$0x3F9F];
	_ =	swait.ge [sflag:s4], $0x0  }
0x19: {  	s7 =	sld [smem:$0x3FA0]  }
0x1a: {  	s8 =	sadd.s32 $0xFFFFE003, lr  }
0x1b: {  	s9 =	sadd.s32 $0xFFFFFEF7, lr;
	s5 =	simm.s32 $0xFFFFFFFF;
	p2 =	slt.u32 s8, $0xFFFFF086  }
0x1c: {  	p1 =	slt.u32 s9, $0xF7A;
	s5 =	simm.s32 @!p2 $0x0  }
0x1d: {  	s5 =	simm.s32 @p1 $0x1;
	p0 =	seq.s32 s7, s2  }
0x1e: {  	s7 =	smul.u32 @!p0 $0xF7A, s2;
	p2 =	seq.s32 @!p0 s5, $0x0  }
0x1f: {  	s9 =	smul.u32 $0xF7A, s1;
	s8 =	simm.s32 @!p0 $0x1BF5;
	p2 =	por !p2, p0  }
0x20: {  	[sflag:s8] =	ssyncset.s32 @!p0 $0xFFFFF086;
	s6 =	sadd.s32 @!p0 s3, s7;
	s7 =	simm.s32 @!p0 $0x108  }
0x21: {  	s3 =	sadd.s32 s3, s9;
	s6 =	sadd.s32 @!p0 $0x88, s6;
	s7 =	simm.s32 @p2 $0x1082  }
0x22: {  	[simem:s7], [sflag:s8] =	dma.local @!p0 [hbm:s6], $0xF7A  }
0x23: {  	s9 =	sor.u32 $0xD0000000, s2;
	s6 =	simm.s32 $0x108;
	_ =	swait.ge @!p0 [sflag:s8], $0x0  }
0x24: {  	s3 =	sadd.s32 $0x88, s3;
	s6 =	simm.s32 @!p1 $0x1082;
	[sflag:s4] =	ssyncset.s32 $0xFFFFF086  }
0x25: {  	[simem:s6], [sflag:s4] =	dma.local [hbm:s3], $0xF7A  }
0x26: {  	[smem:$0x3FA0] =	sst s1;
	(tag) =	ssettag s2;
	_ =	strace s9  }
0x27: {  	s1 =	sld [smem:$0x3FB0]  }
0x28: {  	s2 =	sld [smem:$0x3FB1]  }
0x29: {  	s4 =	sld [smem:$0x3FB3]  }
0x2a: {  	p0 =	seq.s32 s5, $0x0;
	s5 =	sld [smem:$0x3FB4]  }
0x2b: {  	s6 =	sld [smem:$0x3FB5]  }
0x2c: {  	s7 =	sld [smem:$0x3FB6]  }
0x2d: {  	s3 =	simm.s32 $0x108;
	s8 =	sld [smem:$0x3FB7]  }
0x2e: {  	s3 =	simm.s32 @!p0 $0x1082;
	s9 =	sld [smem:$0x3FB8]  }
0x2f: {  	lr =	sadd.s32 s0, s3;
	s0 =	sld [smem:$0x3FAF]  }
0x30: {  	s3 =	sld [smem:$0x3FB2]  }
0x31: {  	[smem:$0x3FBB] =	sst s10  }
0x32: {  	s10 =	sld [smem:$0x3FB9];
	_ =	sdelay $0x3  }
0x33: {  	p0 =	seq.s32 s10, $0x1;
	s10 =	sld [smem:$0x3FBB];
	_ =	sdelay $0x3  }
0x34: {  	[smem:$0x3FBB] =	sst s10  }
0x35: {  	s10 =	sld [smem:$0x3FBA];
	_ =	sdelay $0x3  }
0x36: {  	p1 =	seq.s32 s10, $0x1;
	s10 =	sld [smem:$0x3FBB];
	_ =	sdelay $0x3  }
0x37: {  	[smem:$0x3FBB] =	sst s10  }
0x38: {  	s10 =	sld [smem:$0x3FBC]  }
0x39: {  	_ = 	snop;
	(pc) =	sbr.ind lr, $3  }
0x3a: {  	_ = 	snop  }
0x3b: {  	_ = 	snop  }
0x3c: {  	p2 =	seq.s32 s10, $0x1;
	s10 =	sld [smem:$0x3FBB]  }
0x3d: {  	_ =	shalt  }
0x3e: {  	_ =	shalt  }
0x3f: {  	_ =	shalt  }
0x40: {  	_ =	shalt  }
0x41: {  	_ =	shalt  }
0x42: {  	_ =	shalt  }
0x43: {  	_ =	shalt  }
0x44: {  	_ =	shalt  }
0x45: {  	_ =	shalt  }
0x46: {  	_ =	shalt  }
0x47: {  	_ =	shalt  }
0x48: {  	_ =	shalt  }
0x49: {  	_ =	shalt  }
0x4a: {  	_ =	shalt  }
0x4b: {  	_ =	shalt  }
0x4c: {  	_ =	shalt  }
0x4d: {  	_ =	shalt  }
0x4e: {  	_ =	shalt  }
0x4f: {  	_ =	shalt  }
0x50: {  	_ =	shalt  }
0x51: {  	_ =	shalt  }
0x52: {  	_ =	shalt  }
0x53: {  	_ =	shalt  }
0x54: {  	_ =	shalt  }
0x55: {  	_ =	shalt  }
0x56: {  	_ =	shalt  }
0x57: {  	_ =	shalt  }
0x58: {  	_ =	shalt  }
0x59: {  	_ =	shalt  }
0x5a: {  	_ =	shalt  }
0x5b: {  	_ =	shalt  }
0x5c: {  	_ =	shalt  }
0x5d: {  	_ =	shalt  }
0x5e: {  	_ =	shalt  }
0x5f: {  	_ =	shalt  }
0x60: {  	_ =	shalt  }
0x61: {  	_ =	shalt  }
0x62: {  	_ =	shalt  }
0x63: {  	_ =	shalt  }
0x64: {  	_ =	shalt  }
0x65: {  	_ =	shalt  }
0x66: {  	_ =	shalt  }
0x67: {  	_ =	shalt  }
0x68: {  	_ =	shalt  }
0x69: {  	_ =	shalt  }
0x6a: {  	_ =	shalt  }
0x6b: {  	_ =	shalt  }
0x6c: {  	_ =	shalt  }
0x6d: {  	_ =	shalt  }
0x6e: {  	_ =	shalt  }
0x6f: {  	_ =	shalt  }
0x70: {  	_ =	shalt  }
0x71: {  	_ =	shalt  }
0x72: {  	_ =	shalt  }
0x73: {  	_ =	shalt  }
0x74: {  	_ =	shalt  }
0x75: {  	_ =	shalt  }
0x76: {  	_ =	shalt  }
0x77: {  	_ =	shalt  }
0x78: {  	_ =	shalt  }
0x79: {  	_ =	shalt  }
0x7a: {  	_ =	shalt  }
0x7b: {  	_ =	shalt  }
0x7c: {  	_ =	shalt  }
0x7d: {  	_ =	shalt  }
0x7e: {  	_ =	shalt  }
0x7f: {  	_ =	shalt  }
0x80: {  	_ =	shalt  }
0x81: {  	_ =	shalt  }
0x82: {  	_ =	shalt  }
0x83: {  	_ =	shalt  }
0x84: {  	_ =	shalt  }
0x85: {  	_ =	shalt  }
0x86: {  	_ =	shalt  }
0x87: {  	_ =	shalt  }
.Lfunc_end0:
.L_simem_size_0:
called_computation_lowered:
.L_overlay_start_0:
0x88: {  	s0 =	sld [smem:$0x3FD9]  }
0x89: {  	s1 =	sld [smem:$0x3FFE];
	_ =	sdelay $0x3  }
0x8a: {  	s0 =	sadd.s32 s1, s0  }
0x8b: {  	[smem:$0x3FC7] =	sst s0  }
0x8c: {  	_ = 	snop  }
0x8d: {  	(tm) =	ssettm $0x1  }
0x8e: {  	s26 =	sld [smem:$0x3FFB];
	_ =	sdelay $0x3  }
0x8f: {  	_ =	strace s26  }
0x90: {  	s0 =	sld [smem:$0x3FFC];
	_ =	sdelay $0x3  }
0x91: {  	_ =	strace s0  }
0x92: {  	s0 =	sld [smem:$0x3FFD];
	_ =	sdelay $0x3  }
0x93: {  	_ =	strace s0  }
0x94: {  	s28 =	simm.s32 $0x1B8B;
	_ =	strace $0x8FFFFFFF  }
0x95: {  	_ =	swait.ge [sflag:s28], $0x1  }
0x96: {  	[sflag:s28] =	ssyncset.done $0x0  }
0x97: {  	s29 =	simm.s32 $0x1B8E;
	[sflag:s28] =	ssyncadd.s32 $0xFFFFFFFF  }
0x98: {  	[smem:$0x3FD2] =	sst s29  }
0x99: {  	_ =	strace $0x80000046  }
0x9a: {  	_ =	strace $0x90000046  }
0x9b: {  	_ =	sfence  }
0x9c: {  	s30 =	sld [smem:$0x0];
	_ =	sdelay $0x1  }
0x9d: {  	s31 =	srdreg.scid  }
0x9e: {  	s2 =	sshll.u32 s31, $0xD;
	s3 =	sshrl.u32 s31, $0x2  }
0x9f: {  	s2 =	sand.u32 $0x4000, s2;
	s1 =	sand.u32 $0x1, s31;
	s0 =	sadd.s32 s3, s30  }
0xa0: {  	s1 =	sor.u32 s2, s1;
	s0 =	sshll.u32 s0, $0x11  }
0xa1: {  	s0 =	sor.u32 s0, s1  }
0xa2: {  	s0 =	sadd.s32 $0x8F2B, s0;
	(pc) =	sbr.abs _section_cstart, $3  }
0xa3: {  	[sflag:s0] =	ssyncadd.remote.s32 $0x1  }
0xa4: {  	_ =	strace $0x9FFFFFFF  }
0xa5: {  	(tm) =	ssettm $0x7FFFFFFF  }

</sc_bundles>
